<compile_context>
chip_gen: v7x
topology: tpu7x:2x2x1
jax: 0.10.2.dev20260603
libtpu: 0.0.44.dev20260713+nightly
codegen_flags: <defaults>
</compile_context>

<pallas_src>
import functools

import jax
import jax.numpy as jnp
from jax import lax
from jax.experimental import pallas as pl
from jax.experimental.pallas import tpu as pltpu
from jax.experimental.pallas import tpu_sc as plsc

NC = 2
NS = 16
NW = NC * NS


@functools.partial(jax.jit, static_argnames=("chunk",))
def _gather_rows(tpad, idx, chunk=200):
    N = idx.shape[0]
    Vp, Dp = tpad.shape
    D = Dp // 2
    per_w = N // NW
    n_chunks = per_w // chunk
    assert per_w % chunk == 0 and N % NW == 0 and n_chunks % 4 == 0

    mesh = plsc.VectorSubcoreMesh(core_axis_name="c", subcore_axis_name="s")

    @functools.partial(
        pl.kernel,
        mesh=mesh,
        out_type=jax.ShapeDtypeStruct((N, Dp), jnp.float32),
        scratch_types=[
            pltpu.VMEM((per_w,), jnp.int32),
            pltpu.VMEM((4, chunk, Dp), jnp.float32),
            pltpu.SemaphoreType.DMA,
            pltpu.SemaphoreType.DMA,
            pltpu.SemaphoreType.DMA,
            pltpu.SemaphoreType.DMA,
            pltpu.SemaphoreType.DMA,
            pltpu.SemaphoreType.DMA,
            pltpu.SemaphoreType.DMA,
            pltpu.SemaphoreType.DMA,
        ],
        compiler_params=pltpu.CompilerParams(use_tc_tiling_on_sc=True),
    )
    def k(tpad_hbm, idx_hbm, out_hbm, idx_v, rows_v,
          g0, g1, g2, g3, w0, w1, w2, w3):
        wid = lax.axis_index("s") * NC + lax.axis_index("c")
        base = wid * per_w
        gsem = (g0, g1, g2, g3)
        wsem = (w0, w1, w2, w3)

        pltpu.sync_copy(idx_hbm.at[pl.ds(base, per_w)], idx_v)

        def gather(i, slot):
            return pltpu.async_copy(
                tpad_hbm.at[idx_v.at[pl.ds(i * chunk, chunk)]],
                rows_v.at[slot], gsem[slot])

        def writeback(i, slot):
            return pltpu.async_copy(
                rows_v.at[slot],
                out_hbm.at[pl.ds(base + i * chunk, chunk)], wsem[slot])

        for b in range(4):
            gather(b, b)

        def body(p, carry):
            for b in range(4):
                i = 4 * p + b
                pltpu.make_async_copy(
                    tpad_hbm.at[idx_v.at[pl.ds(i * chunk, chunk)]],
                    rows_v.at[b], gsem[b]).wait()
                writeback(i, b)

                @pl.when(i + 4 < n_chunks)
                def _():
                    pltpu.make_async_copy(
                        rows_v.at[b],
                        out_hbm.at[pl.ds(base + i * chunk, chunk)],
                        wsem[b]).wait()
                    gather(i + 4, b)
            return carry

        lax.fori_loop(0, n_chunks // 4, body, 0)

        for b in range(4):
            i = n_chunks - 4 + b
            pltpu.make_async_copy(
                rows_v.at[b],
                out_hbm.at[pl.ds(base + i * chunk, chunk)],
                wsem[b]).wait()

    return k(tpad, idx)


def kernel(x, table):
    B, H = x.shape
    V, D = table.shape
    vpad = (-V) % 8
    tpad = jnp.pad(table, ((0, vpad), (0, D)))
    flat = x.reshape(B * H)
    out = _gather_rows(tpad, flat)
    return out.reshape(B, H, 2 * D)[:, :, :D]

# --- scband reference (transcript-rebuilt; emitter-appended) ---
"""Pipeline reference for scband-token-embedding-23330262352258 (READ-ONLY COPY).

The authoritative reference and input builder live on the scoring server;
editing this copy changes nothing except your own understanding.
"""

import jax, jax.numpy as jnp
import numpy as np

NUM_ITEM = 1000000
D_MODEL = 64
BATCH = 4096
HIST = 200


def setup_inputs(seed: int = 0) -> dict:
    key = jax.random.key(seed)
    k1, k2 = jax.random.split(key)
    x = jax.random.randint(k1, (BATCH, HIST), 0, NUM_ITEM, dtype=jnp.int32)
    table = jax.random.normal(k2, (NUM_ITEM + 1, D_MODEL), dtype=jnp.float32)
    # nn.Embedding with padding_idx zeros out the padding row
    table = table.at[NUM_ITEM].set(0.0)
    return {"x": x, "table": table}


def reference(x, table):
    # TokenEmbedding.forward: x = self.item_emb(x)
    return jnp.take(table, x, axis=0)

if __name__ == "__main__":
    import jax
    _d = setup_inputs()
    print(jax.jit(kernel)(*tuple(_d.values())))

</pallas_src>

<mosaic_0001>
#map = affine_map<(d0, d1) -> (0, 0)>
#map1 = affine_map<(d0, d1) -> (0)>
module attributes {stable_mosaic.version = 14 : i64} {
  func.func @k(%arg0: i32, %arg1: i32, %arg2: memref<1000008x128xf32, #tpu.memory_space<hbm>>, %arg3: memref<819200xi32, #tpu.memory_space<hbm>>, %arg4: memref<819200x128xf32, #tpu.memory_space<hbm>>, %arg5: memref<25600xi32, #tpu.memory_space<vmem>>, %arg6: memref<4x200x128xf32, #tpu.memory_space<vmem>>, %arg7: memref<!tpu.dma_semaphore, #tpu.memory_space<semaphore_mem>>, %arg8: memref<!tpu.dma_semaphore, #tpu.memory_space<semaphore_mem>>, %arg9: memref<!tpu.dma_semaphore, #tpu.memory_space<semaphore_mem>>, %arg10: memref<!tpu.dma_semaphore, #tpu.memory_space<semaphore_mem>>, %arg11: memref<!tpu.dma_semaphore, #tpu.memory_space<semaphore_mem>>, %arg12: memref<!tpu.dma_semaphore, #tpu.memory_space<semaphore_mem>>, %arg13: memref<!tpu.dma_semaphore, #tpu.memory_space<semaphore_mem>>, %arg14: memref<!tpu.dma_semaphore, #tpu.memory_space<semaphore_mem>>) attributes {dimension_semantics = [#tpu.dimension_semantics<core_parallel>, #tpu.dimension_semantics<subcore_parallel>], iteration_bounds = array<i64: 2, 16>, scalar_prefetch = 0 : i64, scratch_operands = 10 : i64, tpu.core_type = #tpu.core_type<sc_vector_subcore>, window_params = [{transform_indices = #map}, {transform_indices = #map1}, {transform_indices = #map}]} {
    %mul3A = arith.constant 2 : i32
    %mul3A_0 = arith.muli %arg1, %mul3A : i32
    %add3A = arith.addi %mul3A_0, %arg0 : i32
    %mul3A_1 = arith.constant 25600 : i32
    %mul3A_2 = arith.muli %add3A, %mul3A_1 : i32
    "tpu.region"() ({
      %run_scoped3A = tpu.sem_alloc : memref<!tpu.dma_semaphore, #tpu.memory_space<semaphore_mem>>
      %dma_start3A_106 = tpu.memref_slice %arg3[%mul3A_2] : memref<819200xi32, #tpu.memory_space<hbm>> -> memref<25600xi32, #tpu.memory_space<hbm>>
      %dma_start3A_107 = tpu.memref_slice %arg3[%mul3A_2] : memref<819200xi32, #tpu.memory_space<hbm>> -> memref<25600xi32, #tpu.memory_space<hbm>>
      tpu.enqueue_dma source(%dma_start3A_107 : memref<25600xi32, #tpu.memory_space<hbm>>) target(%arg5 : memref<25600xi32, #tpu.memory_space<vmem>>) target_semaphore(%run_scoped3A : memref<!tpu.dma_semaphore, #tpu.memory_space<semaphore_mem>>)
      %dma_wait3A_108 = tpu.memref_slice %arg3[%mul3A_2] : memref<819200xi32, #tpu.memory_space<hbm>> -> memref<25600xi32, #tpu.memory_space<hbm>>
      %dma_wait3A_109 = tpu.memref_slice %arg3[%mul3A_2] : memref<819200xi32, #tpu.memory_space<hbm>> -> memref<25600xi32, #tpu.memory_space<hbm>>
      tpu.wait_dma2 semaphore(%run_scoped3A : memref<!tpu.dma_semaphore, #tpu.memory_space<semaphore_mem>>) src(%dma_wait3A_109 : memref<25600xi32, #tpu.memory_space<hbm>>) dst(%arg5 : memref<25600xi32, #tpu.memory_space<vmem>>)
      tpu.yield
    }) : () -> ()
    %dma_start3A = arith.constant 0 : i32
    %dma_start3A_3 = arith.constant 0 : i32
    %dma_start3A_4 = arith.constant 0 : i32
    %dma_start3A_5 = tpu.memref_slice %arg6[%dma_start3A, %dma_start3A_3, %dma_start3A_4] : memref<4x200x128xf32, #tpu.memory_space<vmem>> -> memref<1x200x128xf32, #tpu.memory_space<vmem>>
    %dma_start3A_6 = tpu.memref_squeeze %dma_start3A_5 : memref<1x200x128xf32, #tpu.memory_space<vmem>> -> memref<200x128xf32, #tpu.memory_space<vmem>>
    %dma_start3A_7 = arith.constant 0 : i32
    %dma_start3A_8 = tpu.memref_slice %arg5[%dma_start3A_7] : memref<25600xi32, #tpu.memory_space<vmem>> -> memref<200xi32, #tpu.memory_space<vmem>>
    %dma_start3A_9 = arith.constant 0 : i32
    %dma_start3A_10 = arith.constant 0 : i32
    %dma_start3A_11 = tpu.memref_slice %arg2[%dma_start3A_9, %dma_start3A_10] : memref<1000008x128xf32, #tpu.memory_space<hbm>> -> memref<1000008x128xf32, #tpu.memory_space<hbm>>
    tpu.enqueue_indirect_dma source(%dma_start3A_11 : memref<1000008x128xf32, #tpu.memory_space<hbm>>) target(%dma_start3A_6 : memref<200x128xf32, #tpu.memory_space<vmem>>) offsets(%dma_start3A_8 : memref<200xi32, #tpu.memory_space<vmem>>) semaphore(%arg7 : memref<!tpu.dma_semaphore, #tpu.memory_space<semaphore_mem>>)
    %dma_start3A_12 = arith.constant 1 : i32
    %dma_start3A_13 = arith.constant 0 : i32
    %dma_start3A_14 = arith.constant 0 : i32
    %dma_start3A_15 = tpu.memref_slice %arg6[%dma_start3A_12, %dma_start3A_13, %dma_start3A_14] : memref<4x200x128xf32, #tpu.memory_space<vmem>> -> memref<1x200x128xf32, #tpu.memory_space<vmem>>
    %dma_start3A_16 = tpu.memref_squeeze %dma_start3A_15 : memref<1x200x128xf32, #tpu.memory_space<vmem>> -> memref<200x128xf32, #tpu.memory_space<vmem>>
    %dma_start3A_17 = arith.constant 200 : i32
    %dma_start3A_18 = tpu.memref_slice %arg5[%dma_start3A_17] : memref<25600xi32, #tpu.memory_space<vmem>> -> memref<200xi32, #tpu.memory_space<vmem>>
    %dma_start3A_19 = arith.constant 0 : i32
    %dma_start3A_20 = arith.constant 0 : i32
    %dma_start3A_21 = tpu.memref_slice %arg2[%dma_start3A_19, %dma_start3A_20] : memref<1000008x128xf32, #tpu.memory_space<hbm>> -> memref<1000008x128xf32, #tpu.memory_space<hbm>>
    tpu.enqueue_indirect_dma source(%dma_start3A_21 : memref<1000008x128xf32, #tpu.memory_space<hbm>>) target(%dma_start3A_16 : memref<200x128xf32, #tpu.memory_space<vmem>>) offsets(%dma_start3A_18 : memref<200xi32, #tpu.memory_space<vmem>>) semaphore(%arg8 : memref<!tpu.dma_semaphore, #tpu.memory_space<semaphore_mem>>)
    %dma_start3A_22 = arith.constant 2 : i32
    %dma_start3A_23 = arith.constant 0 : i32
    %dma_start3A_24 = arith.constant 0 : i32
    %dma_start3A_25 = tpu.memref_slice %arg6[%dma_start3A_22, %dma_start3A_23, %dma_start3A_24] : memref<4x200x128xf32, #tpu.memory_space<vmem>> -> memref<1x200x128xf32, #tpu.memory_space<vmem>>
    %dma_start3A_26 = tpu.memref_squeeze %dma_start3A_25 : memref<1x200x128xf32, #tpu.memory_space<vmem>> -> memref<200x128xf32, #tpu.memory_space<vmem>>
    %dma_start3A_27 = arith.constant 400 : i32
    %dma_start3A_28 = tpu.memref_slice %arg5[%dma_start3A_27] : memref<25600xi32, #tpu.memory_space<vmem>> -> memref<200xi32, #tpu.memory_space<vmem>>
    %dma_start3A_29 = arith.constant 0 : i32
    %dma_start3A_30 = arith.constant 0 : i32
    %dma_start3A_31 = tpu.memref_slice %arg2[%dma_start3A_29, %dma_start3A_30] : memref<1000008x128xf32, #tpu.memory_space<hbm>> -> memref<1000008x128xf32, #tpu.memory_space<hbm>>
    tpu.enqueue_indirect_dma source(%dma_start3A_31 : memref<1000008x128xf32, #tpu.memory_space<hbm>>) target(%dma_start3A_26 : memref<200x128xf32, #tpu.memory_space<vmem>>) offsets(%dma_start3A_28 : memref<200xi32, #tpu.memory_space<vmem>>) semaphore(%arg9 : memref<!tpu.dma_semaphore, #tpu.memory_space<semaphore_mem>>)
    %dma_start3A_32 = arith.constant 3 : i32
    %dma_start3A_33 = arith.constant 0 : i32
    %dma_start3A_34 = arith.constant 0 : i32
    %dma_start3A_35 = tpu.memref_slice %arg6[%dma_start3A_32, %dma_start3A_33, %dma_start3A_34] : memref<4x200x128xf32, #tpu.memory_space<vmem>> -> memref<1x200x128xf32, #tpu.memory_space<vmem>>
    %dma_start3A_36 = tpu.memref_squeeze %dma_start3A_35 : memref<1x200x128xf32, #tpu.memory_space<vmem>> -> memref<200x128xf32, #tpu.memory_space<vmem>>
    %dma_start3A_37 = arith.constant 600 : i32
    %dma_start3A_38 = tpu.memref_slice %arg5[%dma_start3A_37] : memref<25600xi32, #tpu.memory_space<vmem>> -> memref<200xi32, #tpu.memory_space<vmem>>
    %dma_start3A_39 = arith.constant 0 : i32
    %dma_start3A_40 = arith.constant 0 : i32
    %dma_start3A_41 = tpu.memref_slice %arg2[%dma_start3A_39, %dma_start3A_40] : memref<1000008x128xf32, #tpu.memory_space<hbm>> -> memref<1000008x128xf32, #tpu.memory_space<hbm>>
    tpu.enqueue_indirect_dma source(%dma_start3A_41 : memref<1000008x128xf32, #tpu.memory_space<hbm>>) target(%dma_start3A_36 : memref<200x128xf32, #tpu.memory_space<vmem>>) offsets(%dma_start3A_38 : memref<200xi32, #tpu.memory_space<vmem>>) semaphore(%arg10 : memref<!tpu.dma_semaphore, #tpu.memory_space<semaphore_mem>>)
    %scan3A = arith.constant 0 : i32
    %scan3A_42 = arith.constant 0 : i32
    %scan3A_43 = arith.constant 32 : i32
    %scan3A_44 = arith.addi %scan3A_42, %scan3A_43 : i32
    %scan3A_45 = arith.constant 1 : i32
    scf.for %scan3A_106 = %scan3A_42 to %scan3A_44 step %scan3A_45  : i32 {
      %mul3A_107 = arith.constant 4 : i32
      %mul3A_108 = arith.muli %mul3A_107, %scan3A_106 : i32
      %add3A_109 = arith.constant 0 : i32
      %add3A_110 = arith.addi %mul3A_108, %add3A_109 : i32
      %mul3A_111 = arith.constant 200 : i32
      %mul3A_112 = arith.muli %add3A_110, %mul3A_111 : i32
      %dma_wait3A_113 = arith.constant 0 : i32
      %dma_wait3A_114 = arith.constant 0 : i32
      %dma_wait3A_115 = arith.constant 0 : i32
      %dma_wait3A_116 = tpu.memref_slice %arg6[%dma_wait3A_113, %dma_wait3A_114, %dma_wait3A_115] : memref<4x200x128xf32, #tpu.memory_space<vmem>> -> memref<1x200x128xf32, #tpu.memory_space<vmem>>
      %dma_wait3A_117 = tpu.memref_squeeze %dma_wait3A_116 : memref<1x200x128xf32, #tpu.memory_space<vmem>> -> memref<200x128xf32, #tpu.memory_space<vmem>>
      %dma_wait3A_118 = tpu.memref_slice %arg5[%mul3A_112] : memref<25600xi32, #tpu.memory_space<vmem>> -> memref<200xi32, #tpu.memory_space<vmem>>
      %dma_wait3A_119 = arith.constant 0 : i32
      %dma_wait3A_120 = arith.constant 0 : i32
      %dma_wait3A_121 = tpu.memref_slice %arg2[%dma_wait3A_119, %dma_wait3A_120] : memref<1000008x128xf32, #tpu.memory_space<hbm>> -> memref<1000008x128xf32, #tpu.memory_space<hbm>>
      tpu.wait_indirect_dma semaphore(%arg7 : memref<!tpu.dma_semaphore, #tpu.memory_space<semaphore_mem>>) src(%dma_wait3A_121 : memref<1000008x128xf32, #tpu.memory_space<hbm>>) dst(%dma_wait3A_117 : memref<200x128xf32, #tpu.memory_space<vmem>>)
      %mul3A_122 = arith.constant 200 : i32
      %mul3A_123 = arith.muli %add3A_110, %mul3A_122 : i32
      %add3A_124 = arith.addi %mul3A_2, %mul3A_123 : i32
      %dma_start3A_125 = arith.constant 0 : i32
      %dma_start3A_126 = arith.constant 0 : i32
      %dma_start3A_127 = arith.constant 0 : i32
      %dma_start3A_128 = tpu.memref_slice %arg6[%dma_start3A_125, %dma_start3A_126, %dma_start3A_127] : memref<4x200x128xf32, #tpu.memory_space<vmem>> -> memref<1x200x128xf32, #tpu.memory_space<vmem>>
      %dma_start3A_129 = tpu.memref_squeeze %dma_start3A_128 : memref<1x200x128xf32, #tpu.memory_space<vmem>> -> memref<200x128xf32, #tpu.memory_space<vmem>>
      %dma_start3A_130 = arith.constant 0 : i32
      %dma_start3A_131 = tpu.memref_slice %arg4[%add3A_124, %dma_start3A_130] : memref<819200x128xf32, #tpu.memory_space<hbm>> -> memref<200x128xf32, #tpu.memory_space<hbm>>
      %dma_start3A_132 = arith.constant 0 : i32
      %dma_start3A_133 = tpu.memref_slice %arg4[%add3A_124, %dma_start3A_132] : memref<819200x128xf32, #tpu.memory_space<hbm>> -> memref<200x128xf32, #tpu.memory_space<hbm>>
      %dma_start3A_134 = arith.constant 0 : i32
      %dma_start3A_135 = arith.constant 0 : i32
      %dma_start3A_136 = tpu.memref_slice %arg6[%dma_start3A_125, %dma_start3A_134, %dma_start3A_135] : memref<4x200x128xf32, #tpu.memory_space<vmem>> -> memref<1x200x128xf32, #tpu.memory_space<vmem>>
      %dma_start3A_137 = tpu.memref_squeeze %dma_start3A_136 : memref<1x200x128xf32, #tpu.memory_space<vmem>> -> memref<200x128xf32, #tpu.memory_space<vmem>>
      tpu.enqueue_dma source(%dma_start3A_137 : memref<200x128xf32, #tpu.memory_space<vmem>>) target(%dma_start3A_133 : memref<200x128xf32, #tpu.memory_space<hbm>>) target_semaphore(%arg11 : memref<!tpu.dma_semaphore, #tpu.memory_space<semaphore_mem>>)
      %add3A_138 = arith.constant 4 : i32
      %add3A_139 = arith.addi %add3A_110, %add3A_138 : i32
      %lt3A = arith.constant 128 : i32
      %lt3A_140 = arith.cmpi slt, %add3A_139, %lt3A : i32
      %convert_element_type3A = arith.extui %lt3A_140 : i1 to i32
      %cond3A = arith.constant 0 : i32
      %cond3A_141 = arith.cmpi ne, %convert_element_type3A, %cond3A : i32
      scf.if %cond3A_141 {
        %mul3A_256 = arith.constant 200 : i32
        %mul3A_257 = arith.muli %add3A_110, %mul3A_256 : i32
        %add3A_258 = arith.addi %mul3A_2, %mul3A_257 : i32
        %dma_wait3A_259 = arith.constant 0 : i32
        %dma_wait3A_260 = arith.constant 0 : i32
        %dma_wait3A_261 = arith.constant 0 : i32
        %dma_wait3A_262 = tpu.memref_slice %arg6[%dma_wait3A_259, %dma_wait3A_260, %dma_wait3A_261] : memref<4x200x128xf32, #tpu.memory_space<vmem>> -> memref<1x200x128xf32, #tpu.memory_space<vmem>>
        %dma_wait3A_263 = tpu.memref_squeeze %dma_wait3A_262 : memref<1x200x128xf32, #tpu.memory_space<vmem>> -> memref<200x128xf32, #tpu.memory_space<vmem>>
        %dma_wait3A_264 = arith.constant 0 : i32
        %dma_wait3A_265 = tpu.memref_slice %arg4[%add3A_258, %dma_wait3A_264] : memref<819200x128xf32, #tpu.memory_space<hbm>> -> memref<200x128xf32, #tpu.memory_space<hbm>>
        %dma_wait3A_266 = arith.constant 0 : i32
        %dma_wait3A_267 = tpu.memref_slice %arg4[%add3A_258, %dma_wait3A_266] : memref<819200x128xf32, #tpu.memory_space<hbm>> -> memref<200x128xf32, #tpu.memory_space<hbm>>
        %dma_wait3A_268 = arith.constant 0 : i32
        %dma_wait3A_269 = arith.constant 0 : i32
        %dma_wait3A_270 = tpu.memref_slice %arg6[%dma_wait3A_259, %dma_wait3A_268, %dma_wait3A_269] : memref<4x200x128xf32, #tpu.memory_space<vmem>> -> memref<1x200x128xf32, #tpu.memory_space<vmem>>
        %dma_wait3A_271 = tpu.memref_squeeze %dma_wait3A_270 : memref<1x200x128xf32, #tpu.memory_space<vmem>> -> memref<200x128xf32, #tpu.memory_space<vmem>>
        tpu.wait_dma2 semaphore(%arg11 : memref<!tpu.dma_semaphore, #tpu.memory_space<semaphore_mem>>) src(%dma_wait3A_271 : memref<200x128xf32, #tpu.memory_space<vmem>>) dst(%dma_wait3A_267 : memref<200x128xf32, #tpu.memory_space<hbm>>)
        %add3A_272 = arith.constant 4 : i32
        %add3A_273 = arith.addi %add3A_110, %add3A_272 : i32
        %mul3A_274 = arith.constant 200 : i32
        %mul3A_275 = arith.muli %add3A_273, %mul3A_274 : i32
        %dma_start3A_276 = arith.constant 0 : i32
        %dma_start3A_277 = arith.constant 0 : i32
        %dma_start3A_278 = arith.constant 0 : i32
        %dma_start3A_279 = tpu.memref_slice %arg6[%dma_start3A_276, %dma_start3A_277, %dma_start3A_278] : memref<4x200x128xf32, #tpu.memory_space<vmem>> -> memref<1x200x128xf32, #tpu.memory_space<vmem>>
        %dma_start3A_280 = tpu.memref_squeeze %dma_start3A_279 : memref<1x200x128xf32, #tpu.memory_space<vmem>> -> memref<200x128xf32, #tpu.memory_space<vmem>>
        %dma_start3A_281 = tpu.memref_slice %arg5[%mul3A_275] : memref<25600xi32, #tpu.memory_space<vmem>> -> memref<200xi32, #tpu.memory_space<vmem>>
        %dma_start3A_282 = arith.constant 0 : i32
        %dma_start3A_283 = arith.constant 0 : i32
        %dma_start3A_284 = tpu.memref_slice %arg2[%dma_start3A_282, %dma_start3A_283] : memref<1000008x128xf32, #tpu.memory_space<hbm>> -> memref<1000008x128xf32, #tpu.memory_space<hbm>>
        tpu.enqueue_indirect_dma source(%dma_start3A_284 : memref<1000008x128xf32, #tpu.memory_space<hbm>>) target(%dma_start3A_280 : memref<200x128xf32, #tpu.memory_space<vmem>>) offsets(%dma_start3A_281 : memref<200xi32, #tpu.memory_space<vmem>>) semaphore(%arg7 : memref<!tpu.dma_semaphore, #tpu.memory_space<semaphore_mem>>)
      } else {
      }
      %mul3A_142 = arith.constant 4 : i32
      %mul3A_143 = arith.muli %mul3A_142, %scan3A_106 : i32
      %add3A_144 = arith.constant 1 : i32
      %add3A_145 = arith.addi %mul3A_143, %add3A_144 : i32
      %mul3A_146 = arith.constant 200 : i32
      %mul3A_147 = arith.muli %add3A_145, %mul3A_146 : i32
      %dma_wait3A_148 = arith.constant 1 : i32
      %dma_wait3A_149 = arith.constant 0 : i32
      %dma_wait3A_150 = arith.constant 0 : i32
      %dma_wait3A_151 = tpu.memref_slice %arg6[%dma_wait3A_148, %dma_wait3A_149, %dma_wait3A_150] : memref<4x200x128xf32, #tpu.memory_space<vmem>> -> memref<1x200x128xf32, #tpu.memory_space<vmem>>
      %dma_wait3A_152 = tpu.memref_squeeze %dma_wait3A_151 : memref<1x200x128xf32, #tpu.memory_space<vmem>> -> memref<200x128xf32, #tpu.memory_space<vmem>>
      %dma_wait3A_153 = tpu.memref_slice %arg5[%mul3A_147] : memref<25600xi32, #tpu.memory_space<vmem>> -> memref<200xi32, #tpu.memory_space<vmem>>
      %dma_wait3A_154 = arith.constant 0 : i32
      %dma_wait3A_155 = arith.constant 0 : i32
      %dma_wait3A_156 = tpu.memref_slice %arg2[%dma_wait3A_154, %dma_wait3A_155] : memref<1000008x128xf32, #tpu.memory_space<hbm>> -> memref<1000008x128xf32, #tpu.memory_space<hbm>>
      tpu.wait_indirect_dma semaphore(%arg8 : memref<!tpu.dma_semaphore, #tpu.memory_space<semaphore_mem>>) src(%dma_wait3A_156 : memref<1000008x128xf32, #tpu.memory_space<hbm>>) dst(%dma_wait3A_152 : memref<200x128xf32, #tpu.memory_space<vmem>>)
      %mul3A_157 = arith.constant 200 : i32
      %mul3A_158 = arith.muli %add3A_145, %mul3A_157 : i32
      %add3A_159 = arith.addi %mul3A_2, %mul3A_158 : i32
      %dma_start3A_160 = arith.constant 1 : i32
      %dma_start3A_161 = arith.constant 0 : i32
      %dma_start3A_162 = arith.constant 0 : i32
      %dma_start3A_163 = tpu.memref_slice %arg6[%dma_start3A_160, %dma_start3A_161, %dma_start3A_162] : memref<4x200x128xf32, #tpu.memory_space<vmem>> -> memref<1x200x128xf32, #tpu.memory_space<vmem>>
      %dma_start3A_164 = tpu.memref_squeeze %dma_start3A_163 : memref<1x200x128xf32, #tpu.memory_space<vmem>> -> memref<200x128xf32, #tpu.memory_space<vmem>>
      %dma_start3A_165 = arith.constant 0 : i32
      %dma_start3A_166 = tpu.memref_slice %arg4[%add3A_159, %dma_start3A_165] : memref<819200x128xf32, #tpu.memory_space<hbm>> -> memref<200x128xf32, #tpu.memory_space<hbm>>
      %dma_start3A_167 = arith.constant 0 : i32
      %dma_start3A_168 = tpu.memref_slice %arg4[%add3A_159, %dma_start3A_167] : memref<819200x128xf32, #tpu.memory_space<hbm>> -> memref<200x128xf32, #tpu.memory_space<hbm>>
      %dma_start3A_169 = arith.constant 0 : i32
      %dma_start3A_170 = arith.constant 0 : i32
      %dma_start3A_171 = tpu.memref_slice %arg6[%dma_start3A_160, %dma_start3A_169, %dma_start3A_170] : memref<4x200x128xf32, #tpu.memory_space<vmem>> -> memref<1x200x128xf32, #tpu.memory_space<vmem>>
      %dma_start3A_172 = tpu.memref_squeeze %dma_start3A_171 : memref<1x200x128xf32, #tpu.memory_space<vmem>> -> memref<200x128xf32, #tpu.memory_space<vmem>>
      tpu.enqueue_dma source(%dma_start3A_172 : memref<200x128xf32, #tpu.memory_space<vmem>>) target(%dma_start3A_168 : memref<200x128xf32, #tpu.memory_space<hbm>>) target_semaphore(%arg12 : memref<!tpu.dma_semaphore, #tpu.memory_space<semaphore_mem>>)
      %add3A_173 = arith.constant 4 : i32
      %add3A_174 = arith.addi %add3A_145, %add3A_173 : i32
      %lt3A_175 = arith.constant 128 : i32
      %lt3A_176 = arith.cmpi slt, %add3A_174, %lt3A_175 : i32
      %convert_element_type3A_177 = arith.extui %lt3A_176 : i1 to i32
      %cond3A_178 = arith.constant 0 : i32
      %cond3A_179 = arith.cmpi ne, %convert_element_type3A_177, %cond3A_178 : i32
      scf.if %cond3A_179 {
        %mul3A_256 = arith.constant 200 : i32
        %mul3A_257 = arith.muli %add3A_145, %mul3A_256 : i32
        %add3A_258 = arith.addi %mul3A_2, %mul3A_257 : i32
        %dma_wait3A_259 = arith.constant 1 : i32
        %dma_wait3A_260 = arith.constant 0 : i32
        %dma_wait3A_261 = arith.constant 0 : i32
        %dma_wait3A_262 = tpu.memref_slice %arg6[%dma_wait3A_259, %dma_wait3A_260, %dma_wait3A_261] : memref<4x200x128xf32, #tpu.memory_space<vmem>> -> memref<1x200x128xf32, #tpu.memory_space<vmem>>
        %dma_wait3A_263 = tpu.memref_squeeze %dma_wait3A_262 : memref<1x200x128xf32, #tpu.memory_space<vmem>> -> memref<200x128xf32, #tpu.memory_space<vmem>>
        %dma_wait3A_264 = arith.constant 0 : i32
        %dma_wait3A_265 = tpu.memref_slice %arg4[%add3A_258, %dma_wait3A_264] : memref<819200x128xf32, #tpu.memory_space<hbm>> -> memref<200x128xf32, #tpu.memory_space<hbm>>
        %dma_wait3A_266 = arith.constant 0 : i32
        %dma_wait3A_267 = tpu.memref_slice %arg4[%add3A_258, %dma_wait3A_266] : memref<819200x128xf32, #tpu.memory_space<hbm>> -> memref<200x128xf32, #tpu.memory_space<hbm>>
        %dma_wait3A_268 = arith.constant 0 : i32
        %dma_wait3A_269 = arith.constant 0 : i32
        %dma_wait3A_270 = tpu.memref_slice %arg6[%dma_wait3A_259, %dma_wait3A_268, %dma_wait3A_269] : memref<4x200x128xf32, #tpu.memory_space<vmem>> -> memref<1x200x128xf32, #tpu.memory_space<vmem>>
        %dma_wait3A_271 = tpu.memref_squeeze %dma_wait3A_270 : memref<1x200x128xf32, #tpu.memory_space<vmem>> -> memref<200x128xf32, #tpu.memory_space<vmem>>
        tpu.wait_dma2 semaphore(%arg12 : memref<!tpu.dma_semaphore, #tpu.memory_space<semaphore_mem>>) src(%dma_wait3A_271 : memref<200x128xf32, #tpu.memory_space<vmem>>) dst(%dma_wait3A_267 : memref<200x128xf32, #tpu.memory_space<hbm>>)
        %add3A_272 = arith.constant 4 : i32
        %add3A_273 = arith.addi %add3A_145, %add3A_272 : i32
        %mul3A_274 = arith.constant 200 : i32
        %mul3A_275 = arith.muli %add3A_273, %mul3A_274 : i32
        %dma_start3A_276 = arith.constant 1 : i32
        %dma_start3A_277 = arith.constant 0 : i32
        %dma_start3A_278 = arith.constant 0 : i32
        %dma_start3A_279 = tpu.memref_slice %arg6[%dma_start3A_276, %dma_start3A_277, %dma_start3A_278] : memref<4x200x128xf32, #tpu.memory_space<vmem>> -> memref<1x200x128xf32, #tpu.memory_space<vmem>>
        %dma_start3A_280 = tpu.memref_squeeze %dma_start3A_279 : memref<1x200x128xf32, #tpu.memory_space<vmem>> -> memref<200x128xf32, #tpu.memory_space<vmem>>
        %dma_start3A_281 = tpu.memref_slice %arg5[%mul3A_275] : memref<25600xi32, #tpu.memory_space<vmem>> -> memref<200xi32, #tpu.memory_space<vmem>>
        %dma_start3A_282 = arith.constant 0 : i32
        %dma_start3A_283 = arith.constant 0 : i32
        %dma_start3A_284 = tpu.memref_slice %arg2[%dma_start3A_282, %dma_start3A_283] : memref<1000008x128xf32, #tpu.memory_space<hbm>> -> memref<1000008x128xf32, #tpu.memory_space<hbm>>
        tpu.enqueue_indirect_dma source(%dma_start3A_284 : memref<1000008x128xf32, #tpu.memory_space<hbm>>) target(%dma_start3A_280 : memref<200x128xf32, #tpu.memory_space<vmem>>) offsets(%dma_start3A_281 : memref<200xi32, #tpu.memory_space<vmem>>) semaphore(%arg8 : memref<!tpu.dma_semaphore, #tpu.memory_space<semaphore_mem>>)
      } else {
      }
      %mul3A_180 = arith.constant 4 : i32
      %mul3A_181 = arith.muli %mul3A_180, %scan3A_106 : i32
      %add3A_182 = arith.constant 2 : i32
      %add3A_183 = arith.addi %mul3A_181, %add3A_182 : i32
      %mul3A_184 = arith.constant 200 : i32
      %mul3A_185 = arith.muli %add3A_183, %mul3A_184 : i32
      %dma_wait3A_186 = arith.constant 2 : i32
      %dma_wait3A_187 = arith.constant 0 : i32
      %dma_wait3A_188 = arith.constant 0 : i32
      %dma_wait3A_189 = tpu.memref_slice %arg6[%dma_wait3A_186, %dma_wait3A_187, %dma_wait3A_188] : memref<4x200x128xf32, #tpu.memory_space<vmem>> -> memref<1x200x128xf32, #tpu.memory_space<vmem>>
      %dma_wait3A_190 = tpu.memref_squeeze %dma_wait3A_189 : memref<1x200x128xf32, #tpu.memory_space<vmem>> -> memref<200x128xf32, #tpu.memory_space<vmem>>
      %dma_wait3A_191 = tpu.memref_slice %arg5[%mul3A_185] : memref<25600xi32, #tpu.memory_space<vmem>> -> memref<200xi32, #tpu.memory_space<vmem>>
      %dma_wait3A_192 = arith.constant 0 : i32
      %dma_wait3A_193 = arith.constant 0 : i32
      %dma_wait3A_194 = tpu.memref_slice %arg2[%dma_wait3A_192, %dma_wait3A_193] : memref<1000008x128xf32, #tpu.memory_space<hbm>> -> memref<1000008x128xf32, #tpu.memory_space<hbm>>
      tpu.wait_indirect_dma semaphore(%arg9 : memref<!tpu.dma_semaphore, #tpu.memory_space<semaphore_mem>>) src(%dma_wait3A_194 : memref<1000008x128xf32, #tpu.memory_space<hbm>>) dst(%dma_wait3A_190 : memref<200x128xf32, #tpu.memory_space<vmem>>)
      %mul3A_195 = arith.constant 200 : i32
      %mul3A_196 = arith.muli %add3A_183, %mul3A_195 : i32
      %add3A_197 = arith.addi %mul3A_2, %mul3A_196 : i32
      %dma_start3A_198 = arith.constant 2 : i32
      %dma_start3A_199 = arith.constant 0 : i32
      %dma_start3A_200 = arith.constant 0 : i32
      %dma_start3A_201 = tpu.memref_slice %arg6[%dma_start3A_198, %dma_start3A_199, %dma_start3A_200] : memref<4x200x128xf32, #tpu.memory_space<vmem>> -> memref<1x200x128xf32, #tpu.memory_space<vmem>>
      %dma_start3A_202 = tpu.memref_squeeze %dma_start3A_201 : memref<1x200x128xf32, #tpu.memory_space<vmem>> -> memref<200x128xf32, #tpu.memory_space<vmem>>
      %dma_start3A_203 = arith.constant 0 : i32
      %dma_start3A_204 = tpu.memref_slice %arg4[%add3A_197, %dma_start3A_203] : memref<819200x128xf32, #tpu.memory_space<hbm>> -> memref<200x128xf32, #tpu.memory_space<hbm>>
      %dma_start3A_205 = arith.constant 0 : i32
      %dma_start3A_206 = tpu.memref_slice %arg4[%add3A_197, %dma_start3A_205] : memref<819200x128xf32, #tpu.memory_space<hbm>> -> memref<200x128xf32, #tpu.memory_space<hbm>>
      %dma_start3A_207 = arith.constant 0 : i32
      %dma_start3A_208 = arith.constant 0 : i32
      %dma_start3A_209 = tpu.memref_slice %arg6[%dma_start3A_198, %dma_start3A_207, %dma_start3A_208] : memref<4x200x128xf32, #tpu.memory_space<vmem>> -> memref<1x200x128xf32, #tpu.memory_space<vmem>>
      %dma_start3A_210 = tpu.memref_squeeze %dma_start3A_209 : memref<1x200x128xf32, #tpu.memory_space<vmem>> -> memref<200x128xf32, #tpu.memory_space<vmem>>
      tpu.enqueue_dma source(%dma_start3A_210 : memref<200x128xf32, #tpu.memory_space<vmem>>) target(%dma_start3A_206 : memref<200x128xf32, #tpu.memory_space<hbm>>) target_semaphore(%arg13 : memref<!tpu.dma_semaphore, #tpu.memory_space<semaphore_mem>>)
      %add3A_211 = arith.constant 4 : i32
      %add3A_212 = arith.addi %add3A_183, %add3A_211 : i32
      %lt3A_213 = arith.constant 128 : i32
      %lt3A_214 = arith.cmpi slt, %add3A_212, %lt3A_213 : i32
      %convert_element_type3A_215 = arith.extui %lt3A_214 : i1 to i32
      %cond3A_216 = arith.constant 0 : i32
      %cond3A_217 = arith.cmpi ne, %convert_element_type3A_215, %cond3A_216 : i32
      scf.if %cond3A_217 {
        %mul3A_256 = arith.constant 200 : i32
        %mul3A_257 = arith.muli %add3A_183, %mul3A_256 : i32
        %add3A_258 = arith.addi %mul3A_2, %mul3A_257 : i32
        %dma_wait3A_259 = arith.constant 2 : i32
        %dma_wait3A_260 = arith.constant 0 : i32
        %dma_wait3A_261 = arith.constant 0 : i32
        %dma_wait3A_262 = tpu.memref_slice %arg6[%dma_wait3A_259, %dma_wait3A_260, %dma_wait3A_261] : memref<4x200x128xf32, #tpu.memory_space<vmem>> -> memref<1x200x128xf32, #tpu.memory_space<vmem>>
        %dma_wait3A_263 = tpu.memref_squeeze %dma_wait3A_262 : memref<1x200x128xf32, #tpu.memory_space<vmem>> -> memref<200x128xf32, #tpu.memory_space<vmem>>
        %dma_wait3A_264 = arith.constant 0 : i32
        %dma_wait3A_265 = tpu.memref_slice %arg4[%add3A_258, %dma_wait3A_264] : memref<819200x128xf32, #tpu.memory_space<hbm>> -> memref<200x128xf32, #tpu.memory_space<hbm>>
        %dma_wait3A_266 = arith.constant 0 : i32
        %dma_wait3A_267 = tpu.memref_slice %arg4[%add3A_258, %dma_wait3A_266] : memref<819200x128xf32, #tpu.memory_space<hbm>> -> memref<200x128xf32, #tpu.memory_space<hbm>>
        %dma_wait3A_268 = arith.constant 0 : i32
        %dma_wait3A_269 = arith.constant 0 : i32
        %dma_wait3A_270 = tpu.memref_slice %arg6[%dma_wait3A_259, %dma_wait3A_268, %dma_wait3A_269] : memref<4x200x128xf32, #tpu.memory_space<vmem>> -> memref<1x200x128xf32, #tpu.memory_space<vmem>>
        %dma_wait3A_271 = tpu.memref_squeeze %dma_wait3A_270 : memref<1x200x128xf32, #tpu.memory_space<vmem>> -> memref<200x128xf32, #tpu.memory_space<vmem>>
        tpu.wait_dma2 semaphore(%arg13 : memref<!tpu.dma_semaphore, #tpu.memory_space<semaphore_mem>>) src(%dma_wait3A_271 : memref<200x128xf32, #tpu.memory_space<vmem>>) dst(%dma_wait3A_267 : memref<200x128xf32, #tpu.memory_space<hbm>>)
        %add3A_272 = arith.constant 4 : i32
        %add3A_273 = arith.addi %add3A_183, %add3A_272 : i32
        %mul3A_274 = arith.constant 200 : i32
        %mul3A_275 = arith.muli %add3A_273, %mul3A_274 : i32
        %dma_start3A_276 = arith.constant 2 : i32
        %dma_start3A_277 = arith.constant 0 : i32
        %dma_start3A_278 = arith.constant 0 : i32
        %dma_start3A_279 = tpu.memref_slice %arg6[%dma_start3A_276, %dma_start3A_277, %dma_start3A_278] : memref<4x200x128xf32, #tpu.memory_space<vmem>> -> memref<1x200x128xf32, #tpu.memory_space<vmem>>
        %dma_start3A_280 = tpu.memref_squeeze %dma_start3A_279 : memref<1x200x128xf32, #tpu.memory_space<vmem>> -> memref<200x128xf32, #tpu.memory_space<vmem>>
        %dma_start3A_281 = tpu.memref_slice %arg5[%mul3A_275] : memref<25600xi32, #tpu.memory_space<vmem>> -> memref<200xi32, #tpu.memory_space<vmem>>
        %dma_start3A_282 = arith.constant 0 : i32
        %dma_start3A_283 = arith.constant 0 : i32
        %dma_start3A_284 = tpu.memref_slice %arg2[%dma_start3A_282, %dma_start3A_283] : memref<1000008x128xf32, #tpu.memory_space<hbm>> -> memref<1000008x128xf32, #tpu.memory_space<hbm>>
        tpu.enqueue_indirect_dma source(%dma_start3A_284 : memref<1000008x128xf32, #tpu.memory_space<hbm>>) target(%dma_start3A_280 : memref<200x128xf32, #tpu.memory_space<vmem>>) offsets(%dma_start3A_281 : memref<200xi32, #tpu.memory_space<vmem>>) semaphore(%arg9 : memref<!tpu.dma_semaphore, #tpu.memory_space<semaphore_mem>>)
      } else {
      }
      %mul3A_218 = arith.constant 4 : i32
      %mul3A_219 = arith.muli %mul3A_218, %scan3A_106 : i32
      %add3A_220 = arith.constant 3 : i32
      %add3A_221 = arith.addi %mul3A_219, %add3A_220 : i32
      %mul3A_222 = arith.constant 200 : i32
      %mul3A_223 = arith.muli %add3A_221, %mul3A_222 : i32
      %dma_wait3A_224 = arith.constant 3 : i32
      %dma_wait3A_225 = arith.constant 0 : i32
      %dma_wait3A_226 = arith.constant 0 : i32
      %dma_wait3A_227 = tpu.memref_slice %arg6[%dma_wait3A_224, %dma_wait3A_225, %dma_wait3A_226] : memref<4x200x128xf32, #tpu.memory_space<vmem>> -> memref<1x200x128xf32, #tpu.memory_space<vmem>>
      %dma_wait3A_228 = tpu.memref_squeeze %dma_wait3A_227 : memref<1x200x128xf32, #tpu.memory_space<vmem>> -> memref<200x128xf32, #tpu.memory_space<vmem>>
      %dma_wait3A_229 = tpu.memref_slice %arg5[%mul3A_223] : memref<25600xi32, #tpu.memory_space<vmem>> -> memref<200xi32, #tpu.memory_space<vmem>>
      %dma_wait3A_230 = arith.constant 0 : i32
      %dma_wait3A_231 = arith.constant 0 : i32
      %dma_wait3A_232 = tpu.memref_slice %arg2[%dma_wait3A_230, %dma_wait3A_231] : memref<1000008x128xf32, #tpu.memory_space<hbm>> -> memref<1000008x128xf32, #tpu.memory_space<hbm>>
      tpu.wait_indirect_dma semaphore(%arg10 : memref<!tpu.dma_semaphore, #tpu.memory_space<semaphore_mem>>) src(%dma_wait3A_232 : memref<1000008x128xf32, #tpu.memory_space<hbm>>) dst(%dma_wait3A_228 : memref<200x128xf32, #tpu.memory_space<vmem>>)
      %mul3A_233 = arith.constant 200 : i32
      %mul3A_234 = arith.muli %add3A_221, %mul3A_233 : i32
      %add3A_235 = arith.addi %mul3A_2, %mul3A_234 : i32
      %dma_start3A_236 = arith.constant 3 : i32
      %dma_start3A_237 = arith.constant 0 : i32
      %dma_start3A_238 = arith.constant 0 : i32
      %dma_start3A_239 = tpu.memref_slice %arg6[%dma_start3A_236, %dma_start3A_237, %dma_start3A_238] : memref<4x200x128xf32, #tpu.memory_space<vmem>> -> memref<1x200x128xf32, #tpu.memory_space<vmem>>
      %dma_start3A_240 = tpu.memref_squeeze %dma_start3A_239 : memref<1x200x128xf32, #tpu.memory_space<vmem>> -> memref<200x128xf32, #tpu.memory_space<vmem>>
      %dma_start3A_241 = arith.constant 0 : i32
      %dma_start3A_242 = tpu.memref_slice %arg4[%add3A_235, %dma_start3A_241] : memref<819200x128xf32, #tpu.memory_space<hbm>> -> memref<200x128xf32, #tpu.memory_space<hbm>>
      %dma_start3A_243 = arith.constant 0 : i32
      %dma_start3A_244 = tpu.memref_slice %arg4[%add3A_235, %dma_start3A_243] : memref<819200x128xf32, #tpu.memory_space<hbm>> -> memref<200x128xf32, #tpu.memory_space<hbm>>
      %dma_start3A_245 = arith.constant 0 : i32
      %dma_start3A_246 = arith.constant 0 : i32
      %dma_start3A_247 = tpu.memref_slice %arg6[%dma_start3A_236, %dma_start3A_245, %dma_start3A_246] : memref<4x200x128xf32, #tpu.memory_space<vmem>> -> memref<1x200x128xf32, #tpu.memory_space<vmem>>
      %dma_start3A_248 = tpu.memref_squeeze %dma_start3A_247 : memref<1x200x128xf32, #tpu.memory_space<vmem>> -> memref<200x128xf32, #tpu.memory_space<vmem>>
      tpu.enqueue_dma source(%dma_start3A_248 : memref<200x128xf32, #tpu.memory_space<vmem>>) target(%dma_start3A_244 : memref<200x128xf32, #tpu.memory_space<hbm>>) target_semaphore(%arg14 : memref<!tpu.dma_semaphore, #tpu.memory_space<semaphore_mem>>)
      %add3A_249 = arith.constant 4 : i32
      %add3A_250 = arith.addi %add3A_221, %add3A_249 : i32
      %lt3A_251 = arith.constant 128 : i32
      %lt3A_252 = arith.cmpi slt, %add3A_250, %lt3A_251 : i32
      %convert_element_type3A_253 = arith.extui %lt3A_252 : i1 to i32
      %cond3A_254 = arith.constant 0 : i32
      %cond3A_255 = arith.cmpi ne, %convert_element_type3A_253, %cond3A_254 : i32
      scf.if %cond3A_255 {
        %mul3A_256 = arith.constant 200 : i32
        %mul3A_257 = arith.muli %add3A_221, %mul3A_256 : i32
        %add3A_258 = arith.addi %mul3A_2, %mul3A_257 : i32
        %dma_wait3A_259 = arith.constant 3 : i32
        %dma_wait3A_260 = arith.constant 0 : i32
        %dma_wait3A_261 = arith.constant 0 : i32
        %dma_wait3A_262 = tpu.memref_slice %arg6[%dma_wait3A_259, %dma_wait3A_260, %dma_wait3A_261] : memref<4x200x128xf32, #tpu.memory_space<vmem>> -> memref<1x200x128xf32, #tpu.memory_space<vmem>>
        %dma_wait3A_263 = tpu.memref_squeeze %dma_wait3A_262 : memref<1x200x128xf32, #tpu.memory_space<vmem>> -> memref<200x128xf32, #tpu.memory_space<vmem>>
        %dma_wait3A_264 = arith.constant 0 : i32
        %dma_wait3A_265 = tpu.memref_slice %arg4[%add3A_258, %dma_wait3A_264] : memref<819200x128xf32, #tpu.memory_space<hbm>> -> memref<200x128xf32, #tpu.memory_space<hbm>>
        %dma_wait3A_266 = arith.constant 0 : i32
        %dma_wait3A_267 = tpu.memref_slice %arg4[%add3A_258, %dma_wait3A_266] : memref<819200x128xf32, #tpu.memory_space<hbm>> -> memref<200x128xf32, #tpu.memory_space<hbm>>
        %dma_wait3A_268 = arith.constant 0 : i32
        %dma_wait3A_269 = arith.constant 0 : i32
        %dma_wait3A_270 = tpu.memref_slice %arg6[%dma_wait3A_259, %dma_wait3A_268, %dma_wait3A_269] : memref<4x200x128xf32, #tpu.memory_space<vmem>> -> memref<1x200x128xf32, #tpu.memory_space<vmem>>
        %dma_wait3A_271 = tpu.memref_squeeze %dma_wait3A_270 : memref<1x200x128xf32, #tpu.memory_space<vmem>> -> memref<200x128xf32, #tpu.memory_space<vmem>>
        tpu.wait_dma2 semaphore(%arg14 : memref<!tpu.dma_semaphore, #tpu.memory_space<semaphore_mem>>) src(%dma_wait3A_271 : memref<200x128xf32, #tpu.memory_space<vmem>>) dst(%dma_wait3A_267 : memref<200x128xf32, #tpu.memory_space<hbm>>)
        %add3A_272 = arith.constant 4 : i32
        %add3A_273 = arith.addi %add3A_221, %add3A_272 : i32
        %mul3A_274 = arith.constant 200 : i32
        %mul3A_275 = arith.muli %add3A_273, %mul3A_274 : i32
        %dma_start3A_276 = arith.constant 3 : i32
        %dma_start3A_277 = arith.constant 0 : i32
        %dma_start3A_278 = arith.constant 0 : i32
        %dma_start3A_279 = tpu.memref_slice %arg6[%dma_start3A_276, %dma_start3A_277, %dma_start3A_278] : memref<4x200x128xf32, #tpu.memory_space<vmem>> -> memref<1x200x128xf32, #tpu.memory_space<vmem>>
        %dma_start3A_280 = tpu.memref_squeeze %dma_start3A_279 : memref<1x200x128xf32, #tpu.memory_space<vmem>> -> memref<200x128xf32, #tpu.memory_space<vmem>>
        %dma_start3A_281 = tpu.memref_slice %arg5[%mul3A_275] : memref<25600xi32, #tpu.memory_space<vmem>> -> memref<200xi32, #tpu.memory_space<vmem>>
        %dma_start3A_282 = arith.constant 0 : i32
        %dma_start3A_283 = arith.constant 0 : i32
        %dma_start3A_284 = tpu.memref_slice %arg2[%dma_start3A_282, %dma_start3A_283] : memref<1000008x128xf32, #tpu.memory_space<hbm>> -> memref<1000008x128xf32, #tpu.memory_space<hbm>>
        tpu.enqueue_indirect_dma source(%dma_start3A_284 : memref<1000008x128xf32, #tpu.memory_space<hbm>>) target(%dma_start3A_280 : memref<200x128xf32, #tpu.memory_space<vmem>>) offsets(%dma_start3A_281 : memref<200xi32, #tpu.memory_space<vmem>>) semaphore(%arg10 : memref<!tpu.dma_semaphore, #tpu.memory_space<semaphore_mem>>)
      } else {
      }
    }
    %scan3A_46 = arith.constant 32 : i32
    %add3A_47 = arith.constant 24800 : i32
    %add3A_48 = arith.addi %mul3A_2, %add3A_47 : i32
    %dma_wait3A = arith.constant 0 : i32
    %dma_wait3A_49 = arith.constant 0 : i32
    %dma_wait3A_50 = arith.constant 0 : i32
    %dma_wait3A_51 = tpu.memref_slice %arg6[%dma_wait3A, %dma_wait3A_49, %dma_wait3A_50] : memref<4x200x128xf32, #tpu.memory_space<vmem>> -> memref<1x200x128xf32, #tpu.memory_space<vmem>>
    %dma_wait3A_52 = tpu.memref_squeeze %dma_wait3A_51 : memref<1x200x128xf32, #tpu.memory_space<vmem>> -> memref<200x128xf32, #tpu.memory_space<vmem>>
    %dma_wait3A_53 = arith.constant 0 : i32
    %dma_wait3A_54 = tpu.memref_slice %arg4[%add3A_48, %dma_wait3A_53] : memref<819200x128xf32, #tpu.memory_space<hbm>> -> memref<200x128xf32, #tpu.memory_space<hbm>>
    %dma_wait3A_55 = arith.constant 0 : i32
    %dma_wait3A_56 = tpu.memref_slice %arg4[%add3A_48, %dma_wait3A_55] : memref<819200x128xf32, #tpu.memory_space<hbm>> -> memref<200x128xf32, #tpu.memory_space<hbm>>
    %dma_wait3A_57 = arith.constant 0 : i32
    %dma_wait3A_58 = arith.constant 0 : i32
    %dma_wait3A_59 = tpu.memref_slice %arg6[%dma_wait3A, %dma_wait3A_57, %dma_wait3A_58] : memref<4x200x128xf32, #tpu.memory_space<vmem>> -> memref<1x200x128xf32, #tpu.memory_space<vmem>>
    %dma_wait3A_60 = tpu.memref_squeeze %dma_wait3A_59 : memref<1x200x128xf32, #tpu.memory_space<vmem>> -> memref<200x128xf32, #tpu.memory_space<vmem>>
    tpu.wait_dma2 semaphore(%arg11 : memref<!tpu.dma_semaphore, #tpu.memory_space<semaphore_mem>>) src(%dma_wait3A_60 : memref<200x128xf32, #tpu.memory_space<vmem>>) dst(%dma_wait3A_56 : memref<200x128xf32, #tpu.memory_space<hbm>>)
    %add3A_61 = arith.constant 25000 : i32
    %add3A_62 = arith.addi %mul3A_2, %add3A_61 : i32
    %dma_wait3A_63 = arith.constant 1 : i32
    %dma_wait3A_64 = arith.constant 0 : i32
    %dma_wait3A_65 = arith.constant 0 : i32
    %dma_wait3A_66 = tpu.memref_slice %arg6[%dma_wait3A_63, %dma_wait3A_64, %dma_wait3A_65] : memref<4x200x128xf32, #tpu.memory_space<vmem>> -> memref<1x200x128xf32, #tpu.memory_space<vmem>>
    %dma_wait3A_67 = tpu.memref_squeeze %dma_wait3A_66 : memref<1x200x128xf32, #tpu.memory_space<vmem>> -> memref<200x128xf32, #tpu.memory_space<vmem>>
    %dma_wait3A_68 = arith.constant 0 : i32
    %dma_wait3A_69 = tpu.memref_slice %arg4[%add3A_62, %dma_wait3A_68] : memref<819200x128xf32, #tpu.memory_space<hbm>> -> memref<200x128xf32, #tpu.memory_space<hbm>>
    %dma_wait3A_70 = arith.constant 0 : i32
    %dma_wait3A_71 = tpu.memref_slice %arg4[%add3A_62, %dma_wait3A_70] : memref<819200x128xf32, #tpu.memory_space<hbm>> -> memref<200x128xf32, #tpu.memory_space<hbm>>
    %dma_wait3A_72 = arith.constant 0 : i32
    %dma_wait3A_73 = arith.constant 0 : i32
    %dma_wait3A_74 = tpu.memref_slice %arg6[%dma_wait3A_63, %dma_wait3A_72, %dma_wait3A_73] : memref<4x200x128xf32, #tpu.memory_space<vmem>> -> memref<1x200x128xf32, #tpu.memory_space<vmem>>
    %dma_wait3A_75 = tpu.memref_squeeze %dma_wait3A_74 : memref<1x200x128xf32, #tpu.memory_space<vmem>> -> memref<200x128xf32, #tpu.memory_space<vmem>>
    tpu.wait_dma2 semaphore(%arg12 : memref<!tpu.dma_semaphore, #tpu.memory_space<semaphore_mem>>) src(%dma_wait3A_75 : memref<200x128xf32, #tpu.memory_space<vmem>>) dst(%dma_wait3A_71 : memref<200x128xf32, #tpu.memory_space<hbm>>)
    %add3A_76 = arith.constant 25200 : i32
    %add3A_77 = arith.addi %mul3A_2, %add3A_76 : i32
    %dma_wait3A_78 = arith.constant 2 : i32
    %dma_wait3A_79 = arith.constant 0 : i32
    %dma_wait3A_80 = arith.constant 0 : i32
    %dma_wait3A_81 = tpu.memref_slice %arg6[%dma_wait3A_78, %dma_wait3A_79, %dma_wait3A_80] : memref<4x200x128xf32, #tpu.memory_space<vmem>> -> memref<1x200x128xf32, #tpu.memory_space<vmem>>
    %dma_wait3A_82 = tpu.memref_squeeze %dma_wait3A_81 : memref<1x200x128xf32, #tpu.memory_space<vmem>> -> memref<200x128xf32, #tpu.memory_space<vmem>>
    %dma_wait3A_83 = arith.constant 0 : i32
    %dma_wait3A_84 = tpu.memref_slice %arg4[%add3A_77, %dma_wait3A_83] : memref<819200x128xf32, #tpu.memory_space<hbm>> -> memref<200x128xf32, #tpu.memory_space<hbm>>
    %dma_wait3A_85 = arith.constant 0 : i32
    %dma_wait3A_86 = tpu.memref_slice %arg4[%add3A_77, %dma_wait3A_85] : memref<819200x128xf32, #tpu.memory_space<hbm>> -> memref<200x128xf32, #tpu.memory_space<hbm>>
    %dma_wait3A_87 = arith.constant 0 : i32
    %dma_wait3A_88 = arith.constant 0 : i32
    %dma_wait3A_89 = tpu.memref_slice %arg6[%dma_wait3A_78, %dma_wait3A_87, %dma_wait3A_88] : memref<4x200x128xf32, #tpu.memory_space<vmem>> -> memref<1x200x128xf32, #tpu.memory_space<vmem>>
    %dma_wait3A_90 = tpu.memref_squeeze %dma_wait3A_89 : memref<1x200x128xf32, #tpu.memory_space<vmem>> -> memref<200x128xf32, #tpu.memory_space<vmem>>
    tpu.wait_dma2 semaphore(%arg13 : memref<!tpu.dma_semaphore, #tpu.memory_space<semaphore_mem>>) src(%dma_wait3A_90 : memref<200x128xf32, #tpu.memory_space<vmem>>) dst(%dma_wait3A_86 : memref<200x128xf32, #tpu.memory_space<hbm>>)
    %add3A_91 = arith.constant 25400 : i32
    %add3A_92 = arith.addi %mul3A_2, %add3A_91 : i32
    %dma_wait3A_93 = arith.constant 3 : i32
    %dma_wait3A_94 = arith.constant 0 : i32
    %dma_wait3A_95 = arith.constant 0 : i32
    %dma_wait3A_96 = tpu.memref_slice %arg6[%dma_wait3A_93, %dma_wait3A_94, %dma_wait3A_95] : memref<4x200x128xf32, #tpu.memory_space<vmem>> -> memref<1x200x128xf32, #tpu.memory_space<vmem>>
    %dma_wait3A_97 = tpu.memref_squeeze %dma_wait3A_96 : memref<1x200x128xf32, #tpu.memory_space<vmem>> -> memref<200x128xf32, #tpu.memory_space<vmem>>
    %dma_wait3A_98 = arith.constant 0 : i32
    %dma_wait3A_99 = tpu.memref_slice %arg4[%add3A_92, %dma_wait3A_98] : memref<819200x128xf32, #tpu.memory_space<hbm>> -> memref<200x128xf32, #tpu.memory_space<hbm>>
    %dma_wait3A_100 = arith.constant 0 : i32
    %dma_wait3A_101 = tpu.memref_slice %arg4[%add3A_92, %dma_wait3A_100] : memref<819200x128xf32, #tpu.memory_space<hbm>> -> memref<200x128xf32, #tpu.memory_space<hbm>>
    %dma_wait3A_102 = arith.constant 0 : i32
    %dma_wait3A_103 = arith.constant 0 : i32
    %dma_wait3A_104 = tpu.memref_slice %arg6[%dma_wait3A_93, %dma_wait3A_102, %dma_wait3A_103] : memref<4x200x128xf32, #tpu.memory_space<vmem>> -> memref<1x200x128xf32, #tpu.memory_space<vmem>>
    %dma_wait3A_105 = tpu.memref_squeeze %dma_wait3A_104 : memref<1x200x128xf32, #tpu.memory_space<vmem>> -> memref<200x128xf32, #tpu.memory_space<vmem>>
    tpu.wait_dma2 semaphore(%arg14 : memref<!tpu.dma_semaphore, #tpu.memory_space<semaphore_mem>>) src(%dma_wait3A_105 : memref<200x128xf32, #tpu.memory_space<vmem>>) dst(%dma_wait3A_101 : memref<200x128xf32, #tpu.memory_space<hbm>>)
    return
  }
}

</mosaic_0001>

<sc_bundles>
// kernel: _gather_rows.3.cloned.1.call-start
scs
__scs_entry_jumppad:
0x0: {  	(pc) =	sbr.rel $0x88, $3  }
0x1: {  	(tag) =	ssettag $0x0;
	lr =	simm.s32 $0x1  }
0x2: {  	[smem:$0x3F9F] =	sst lr;
	_ =	strace $0xD0000000  }
0x3: {  	_ = 	snop  }
0x4: {  	_ = 	snop  }
0x5: {  	_ = 	snop  }
0x6: {  	_ = 	snop  }
0x7: {  	_ = 	snop  }
__scs_overlays_trampoline_lowered:
0x8: {  	[smem:$0x3FAE] =	sst s0  }
0x9: {  	[smem:$0x3FAF] =	sst s1  }
0xa: {  	[smem:$0x3FB0] =	sst s2  }
0xb: {  	[smem:$0x3FB1] =	sst s3  }
0xc: {  	[smem:$0x3FB2] =	sst s4  }
0xd: {  	[smem:$0x3FB3] =	sst s5  }
0xe: {  	[smem:$0x3FB4] =	sst s6  }
0xf: {  	[smem:$0x3FB5] =	sst s7  }
0x10: {  	[smem:$0x3FB6] =	sst s8  }
0x11: {  	[smem:$0x3FB7] =	sst s9;
	s0 =	simm.s32 @!p0 $0x0  }
0x12: {  	s1 =	sld [smem:$0x3F9D];
	s0 =	simm.s32 @p0 $0x1  }
0x13: {  	[smem:$0x3FB8] =	sst s0;
	s0 =	simm.s32 @!p1 $0x0  }
0x14: {  	s2 =	sld [smem:$0x3F9C];
	s0 =	simm.s32 @p1 $0x1  }
0x15: {  	[smem:$0x3FB9] =	sst s0;
	s0 =	simm.s32 @!p2 $0x0  }
0x16: {  	s3 =	sld [smem:$0x3FDB];
	s0 =	simm.s32 @p2 $0x1  }
0x17: {  	s4 =	simm.s32 $0x1BF5;
	[smem:$0x3FBB] =	sst s0  }
0x18: {  	s0 =	sld [smem:$0x3F9E];
	_ =	swait.ge [sflag:s4], $0x0  }
0x19: {  	s7 =	sld [smem:$0x3F9F]  }
0x1a: {  	s8 =	sadd.s32 $0xFFFFE003, lr  }
0x1b: {  	s9 =	sadd.s32 $0xFFFFFEF7, lr;
	s5 =	simm.s32 $0xFFFFFFFF;
	p2 =	slt.u32 s8, $0xFFFFF086  }
0x1c: {  	p1 =	slt.u32 s9, $0xF7A;
	s5 =	simm.s32 @!p2 $0x0  }
0x1d: {  	s5 =	simm.s32 @p1 $0x1;
	p0 =	seq.s32 s7, s2  }
0x1e: {  	s7 =	smul.u32 @!p0 $0xF7A, s2;
	p2 =	seq.s32 @!p0 s5, $0x0  }
0x1f: {  	s9 =	smul.u32 $0xF7A, s1;
	s8 =	simm.s32 @!p0 $0x1BF5;
	p2 =	por !p2, p0  }
0x20: {  	[sflag:s8] =	ssyncset.s32 @!p0 $0xFFFFF086;
	s6 =	sadd.s32 @!p0 s3, s7;
	s7 =	simm.s32 @!p0 $0x108  }
0x21: {  	s3 =	sadd.s32 s3, s9;
	s6 =	sadd.s32 @!p0 $0x88, s6;
	s7 =	simm.s32 @p2 $0x1082  }
0x22: {  	[simem:s7], [sflag:s8] =	dma.local @!p0 [hbm:s6], $0xF7A  }
0x23: {  	s9 =	sor.u32 $0xD0000000, s2;
	s6 =	simm.s32 $0x108;
	_ =	swait.ge @!p0 [sflag:s8], $0x0  }
0x24: {  	s3 =	sadd.s32 $0x88, s3;
	s6 =	simm.s32 @!p1 $0x1082;
	[sflag:s4] =	ssyncset.s32 $0xFFFFF086  }
0x25: {  	[simem:s6], [sflag:s4] =	dma.local [hbm:s3], $0xF7A  }
0x26: {  	[smem:$0x3F9F] =	sst s1;
	(tag) =	ssettag s2;
	_ =	strace s9  }
0x27: {  	s1 =	sld [smem:$0x3FAF]  }
0x28: {  	s2 =	sld [smem:$0x3FB0]  }
0x29: {  	s4 =	sld [smem:$0x3FB2]  }
0x2a: {  	p0 =	seq.s32 s5, $0x0;
	s5 =	sld [smem:$0x3FB3]  }
0x2b: {  	s6 =	sld [smem:$0x3FB4]  }
0x2c: {  	s7 =	sld [smem:$0x3FB5]  }
0x2d: {  	s3 =	simm.s32 $0x108;
	s8 =	sld [smem:$0x3FB6]  }
0x2e: {  	s3 =	simm.s32 @!p0 $0x1082;
	s9 =	sld [smem:$0x3FB7]  }
0x2f: {  	lr =	sadd.s32 s0, s3;
	s0 =	sld [smem:$0x3FAE]  }
0x30: {  	s3 =	sld [smem:$0x3FB1]  }
0x31: {  	[smem:$0x3FBA] =	sst s10  }
0x32: {  	s10 =	sld [smem:$0x3FB8];
	_ =	sdelay $0x3  }
0x33: {  	p0 =	seq.s32 s10, $0x1;
	s10 =	sld [smem:$0x3FBA];
	_ =	sdelay $0x3  }
0x34: {  	[smem:$0x3FBA] =	sst s10  }
0x35: {  	s10 =	sld [smem:$0x3FB9];
	_ =	sdelay $0x3  }
0x36: {  	p1 =	seq.s32 s10, $0x1;
	s10 =	sld [smem:$0x3FBA];
	_ =	sdelay $0x3  }
0x37: {  	[smem:$0x3FBA] =	sst s10  }
0x38: {  	s10 =	sld [smem:$0x3FBB]  }
0x39: {  	_ = 	snop;
	(pc) =	sbr.ind lr, $3  }
0x3a: {  	_ = 	snop  }
0x3b: {  	_ = 	snop  }
0x3c: {  	p2 =	seq.s32 s10, $0x1;
	s10 =	sld [smem:$0x3FBA]  }
0x3d: {  	_ =	shalt  }
0x3e: {  	_ =	shalt  }
0x3f: {  	_ =	shalt  }
0x40: {  	_ =	shalt  }
0x41: {  	_ =	shalt  }
0x42: {  	_ =	shalt  }
0x43: {  	_ =	shalt  }
0x44: {  	_ =	shalt  }
0x45: {  	_ =	shalt  }
0x46: {  	_ =	shalt  }
0x47: {  	_ =	shalt  }
0x48: {  	_ =	shalt  }
0x49: {  	_ =	shalt  }
0x4a: {  	_ =	shalt  }
0x4b: {  	_ =	shalt  }
0x4c: {  	_ =	shalt  }
0x4d: {  	_ =	shalt  }
0x4e: {  	_ =	shalt  }
0x4f: {  	_ =	shalt  }
0x50: {  	_ =	shalt  }
0x51: {  	_ =	shalt  }
0x52: {  	_ =	shalt  }
0x53: {  	_ =	shalt  }
0x54: {  	_ =	shalt  }
0x55: {  	_ =	shalt  }
0x56: {  	_ =	shalt  }
0x57: {  	_ =	shalt  }
0x58: {  	_ =	shalt  }
0x59: {  	_ =	shalt  }
0x5a: {  	_ =	shalt  }
0x5b: {  	_ =	shalt  }
0x5c: {  	_ =	shalt  }
0x5d: {  	_ =	shalt  }
0x5e: {  	_ =	shalt  }
0x5f: {  	_ =	shalt  }
0x60: {  	_ =	shalt  }
0x61: {  	_ =	shalt  }
0x62: {  	_ =	shalt  }
0x63: {  	_ =	shalt  }
0x64: {  	_ =	shalt  }
0x65: {  	_ =	shalt  }
0x66: {  	_ =	shalt  }
0x67: {  	_ =	shalt  }
0x68: {  	_ =	shalt  }
0x69: {  	_ =	shalt  }
0x6a: {  	_ =	shalt  }
0x6b: {  	_ =	shalt  }
0x6c: {  	_ =	shalt  }
0x6d: {  	_ =	shalt  }
0x6e: {  	_ =	shalt  }
0x6f: {  	_ =	shalt  }
0x70: {  	_ =	shalt  }
0x71: {  	_ =	shalt  }
0x72: {  	_ =	shalt  }
0x73: {  	_ =	shalt  }
0x74: {  	_ =	shalt  }
0x75: {  	_ =	shalt  }
0x76: {  	_ =	shalt  }
0x77: {  	_ =	shalt  }
0x78: {  	_ =	shalt  }
0x79: {  	_ =	shalt  }
0x7a: {  	_ =	shalt  }
0x7b: {  	_ =	shalt  }
0x7c: {  	_ =	shalt  }
0x7d: {  	_ =	shalt  }
0x7e: {  	_ =	shalt  }
0x7f: {  	_ =	shalt  }
0x80: {  	_ =	shalt  }
0x81: {  	_ =	shalt  }
0x82: {  	_ =	shalt  }
0x83: {  	_ =	shalt  }
0x84: {  	_ =	shalt  }
0x85: {  	_ =	shalt  }
0x86: {  	_ =	shalt  }
0x87: {  	_ =	shalt  }
.Lfunc_end0:
.L_simem_size_0:
called_computation_lowered:
.L_overlay_start_0:
0x88: {  	s2 =	sld [smem:$0x3FD9]  }
0x89: {  	s3 =	sld [smem:$0x3FFE];
	_ =	sdelay $0x1  }
0x8a: {  	s1 =	srdreg.scid  }
0x8b: {  	s0 =	sand.u32 $0x1, s1  }
0x8c: {  	s18 =	sshll.u32 s0, $0xA;
	s2 =	sadd.s32 s3, s2  }
0x8d: {  	s2 =	sadd.s32 s2, s18  }
0x8e: {  	[smem:$0x3FC6] =	sst s2  }
0x8f: {  	_ = 	snop  }
0x90: {  	s2 =	sld [smem:$0x3FC9]  }
0x91: {  	s19 =	sld [smem:$0x3FC8]  }
0x92: {  	s4 =	sld [smem:$0x3FD0];
	(tm) =	ssettm $0x1  }
0x93: {  	s5 =	sld [smem:$0x3FFB];
	_ =	sdelay $0x3  }
0x94: {  	_ =	strace s5  }
0x95: {  	s5 =	sld [smem:$0x3FFC];
	_ =	sdelay $0x3  }
0x96: {  	_ =	strace s5  }
0x97: {  	s5 =	sld [smem:$0x3FFD];
	_ =	sdelay $0x3  }
0x98: {  	_ =	strace s5  }
0x99: {  	_ =	strace $0x8FFFFFFF  }
0x9a: {  	s20 =	sld [smem:$0x3FDB];
	_ =	sdelay $0x1  }
0x9b: {  	s6 =	simm.s32 $_scs_section_size  }
0x9c: {  	s7 =	simm.s32 $_size__tile_overlayer_lowered;
	s8 =	simm.s32 $_tile_overlayer_lowered  }
0x9d: {  	s23 =	simm.s32 $0x1BFF;
	s22 =	sshll.u32 s8, $0x1;
	s5 =	sadd.s32 s6, s20  }
0x9e: {  	s9 =	simm.s32 $0x0;
	s21 =	sshll.u32 s7, $0x1;
	s7 =	sadd.s32 s22, s5  }
0x9f: {  	[timem:s9], [sflag:s23] =	dma.local [hbm:s7], s21  }
0xa0: {  	_ =	swait.ge [sflag:s23], s21  }
0xa1: {  	s6 =	ssub.s32 $0x0, s21;
	[sflag:s23] =	ssyncset.done $0x0  }
0xa2: {  	[sflag:s23] =	ssyncadd.s32 s6;
	_ =	sdelay $0x1  }
0xa3: {  	s24 =	simm.s32 $0x1B8B  }
0xa4: {  	_ =	swait.ge [sflag:s24], $0x1  }
0xa5: {  	[sflag:s24] =	ssyncset.done $0x0  }
0xa6: {  	s25 =	simm.s32 $0x1B8E;
	[sflag:s24] =	ssyncadd.s32 $0xFFFFFFFF  }
0xa7: {  	s26 =	simm.s32 $execute0_lowered;
	[smem:$0x3FD2] =	sst s25  }
0xa8: {  	s6 =	sshll.u32 s26, $0x1;
	_ =	strace $0x80000046;
	[dreg:$0x1] =	wrdreg $0xFFFFFFFF  }
0xa9: {  	s28 =	simm.s32 $_size_execute0_lowered;
	s5 =	sadd.s32 s5, s6;
	[dreg:$0x0] =	wrdreg $0x0  }
0xaa: {  	s6 =	sshll.u32 s28, $0x1;
	[dreg:$0x2] =	wrdreg s5  }
0xab: {  	[dreg:$0x3] =	wrdreg s6  }
0xac: {  	[dreg:$0x4] =	wrdreg $0xC0  }
0xad: {  	_ =	task [dreg:s9], $0x5FFFF  }
0xae: {  	[dreg:$0x1] =	wrdreg $0xFFFFFFFF  }
0xaf: {  	[dreg:$0x0] =	wrdreg $0x60  }
0xb0: {  	[dreg:$0x2] =	wrdreg s2  }
0xb1: {  	[dreg:$0x3] =	wrdreg s19  }
0xb2: {  	[dreg:$0x4] =	wrdreg s4  }
0xb3: {  	[dreg:$0x5] =	wrdreg $0x9  }
0xb4: {  	_ =	task.clear_ibuf [dreg:s9], $0x6FFFF;
	_ =	strace $0x90000046  }
0xb5: {  	s29 =	simm.s32 $0x9;
	_ =	strace $0x80000048  }
0xb6: {  	_ =	swait.ge [sflag:s29], $0x1  }
0xb7: {  	[sflag:s29] =	ssyncadd.s32 $0xFFFFFFFF  }
0xb8: {  	_ =	strace $0x90000048  }
0xb9: {  	_ =	sfence  }
0xba: {  	s30 =	sld [smem:$0x0];
	_ =	sdelay $0x2  }
0xbb: {  	s31 =	sshll.u32 s1, $0xD;
	s1 =	sshrl.u32 s1, $0x2  }
0xbc: {  	s3 =	sand.u32 $0x4000, s31;
	s1 =	sadd.s32 s1, s30  }
0xbd: {  	s0 =	sor.u32 s3, s0;
	s1 =	sshll.u32 s1, $0x11  }
0xbe: {  	s0 =	sor.u32 s1, s0  }
0xbf: {  	s0 =	sadd.s32 $0x8F2B, s0  }
0xc0: {  	[sflag:s0] =	ssyncadd.remote.s32 $0x1  }
0xc1: {  	_ =	sfence.sel $0xFFFF  }
0xc2: {  	[dreg:$0x0] =	wrdreg $0xFFFFFFFF;
	(pc) =	sbr.abs _section_cstart, $3  }
0xc3: {  	[dreg:$0x1] =	wrdreg $0xFFFFFFFF  }
0xc4: {  	_ =	task.clear_ibuf [dreg:s9], $0x2FFFF;
	_ =	strace $0x9FFFFFFF  }
0xc5: {  	(tm) =	ssettm $0x7FFFFFFF  }
tec
execute0_lowered:
.L_overlay_start_1:
0x0: {  	(tag) =	ssettag $0x1  }
0x1: {  	s1 =	rddreg [dreg:$0x0]  }
0x2: {  	s2 =	srdreg.scid;
	s4 =	rddreg [dreg:$0x1]  }
0x3: {  	s0 =	stileid.u32;
	s6 =	rddreg [dreg:$0x2]  }
0x4: {  	s3 =	simm.s32 $0x0;
	s12 =	simm.s32 $0xC800;
	s13 =	simm.s32 $0x190  }
0x5: {  	s14 =	simm.s32 $0x12C00;
	s15 =	simm.s32 $0x258;
	s16 =	simm.s32 $0x19000  }
0x6: {  	s17 =	simm.s32 $0x1;
	s18 =	simm.s32 $0x3;
	s19 =	simm.s32 $0x4  }
0x7: {  	s20 =	simm.s32 $0x5;
	s21 =	simm.s32 $0x6;
	s22 =	simm.s32 $0x7  }
0x8: {  	s5 =	sand.u32 $0x1, s2;
	s29 =	sshll.u32 s0, $0x1;
	s11 =	smul.u32 $0xC8000, s0  }
0x9: {  	s23 =	simm.s32 $0x8;
	s7 =	sor.u32 s5, s29;
	s30 =	smul.u32 $0x64000, s5  }
0xa: {  	s24 =	simm.s32 $0x0;
	[smem:$0x7FF] =	sst s3;
	s8 =	smul.u32 $0x6400, s7  }
0xb: {  	s9 =	ssub.s32 $0x2, s5;
	_ =	strace $0x80000047;
	s7 =	smul.u32 $0x64000, s7  }
.Ltmp0:
0xc: {  	s10 =	sshrl.u32 s9, $0x1;
	s31 =	sadd.s32 s11, s6;
	(pc) =	sbr.rel .LBB2_1-.Ltmp0, $4  }
0xd: {  	s11 =	simm.s32 $0x6400;
	s9 =	ssub.s32 s9, s10;
	s10 =	simm.s32 $0xC8  }
0xe: {  	s8 =	sshrl.u32 s8, $0x3;
	s7 =	sadd.s32 s6, s7;
	s5 =	smax.u32 s9, $0x1  }
0xf: {  	s9 =	simm.s32 $0x9;
	s4 =	sadd.s32 s4, s8;
	s8 =	sadd.s32 s30, s31  }
0x10: {  	s6 =	sadd.s32 $0x61A80, s7;
	s7 =	sadd.s32 $0x63380, s7;
	s8 =	sadd.s32 $0x2580, s8  }
.LBB2_4:
0x11: {  	_ =	swait.ge [sflag:s19], $0x6400  }
0x12: {  	[sflag:s19] =	ssyncset.done $0x0  }
0x13: {  	[sflag:s19] =	ssyncadd.s32 $0xFFFF9C00  }
0x14: {  	[hbm4b:s7+s3] =	stream.linear.scatter [tilespmem:s16], [sflag:$0x8], $0x6400, $0x38;
	[tilespmem:$0x1F400] =	vst v63  }
0x15: {  	_ =	swait.ge [sflag:s20], $0x6400  }
0x16: {  	[sflag:s20] =	ssyncset.done $0x0  }
0x17: {  	[sflag:s20] =	ssyncadd.s32 $0xFFFF9C00  }
0x18: {  	_ =	swait.ge [sflag:s21], $0x6400  }
0x19: {  	[sflag:s21] =	ssyncset.done $0x0  }
0x1a: {  	s24 =	sadd.s32 $0x1, s24;
	[sflag:s21] =	ssyncadd.s32 $0xFFFF9C00  }
0x1b: {  	p0 =	sne.s32 s24, s5;
	_ =	swait.ge [sflag:s22], $0x6400  }
.Ltmp1:
0x1c: {  	[sflag:s22] =	ssyncset.done $0x0;
	(pc) =	sbr.rel @!p0 .LBB2_5-.Ltmp1, $4  }
0x1d: {  	[sflag:s22] =	ssyncadd.s32 $0xFFFF9C00  }
0x1e: {  	_ =	swait.ge [sflag:s23], $0x6400  }
0x1f: {  	[sflag:s23] =	ssyncset.done $0x0  }
0x20: {  	[sflag:s23] =	ssyncadd.s32 $0xFFFF9C00  }
.LBB2_1:
0x21: {  	[tilespmem:s3], [sflag:$0x9] =	stream.linear.gather [hbm4b:s4+s3], $0x6400, $0x38;
	[tilespmem:$0x1F400] =	vst v63  }
0x22: {  	_ =	swait.ge [sflag:s9], $0x6400  }
0x23: {  	[sflag:s9] =	ssyncset.done $0x0  }
0x24: {  	[sflag:s9] =	ssyncadd.s32 $0xFFFF9C00  }
0x25: {  	[tilespmem:s11], [sflag:$0x1] =	stream.indirect.gather [hbm4b:s1+s10], $0x80, s3, s10, $0xb8;
	[tilespmem:$0x1F400] =	vst v63  }
0x26: {  	_ = 	snop  }
0x27: {  	[tilespmem:s12], [sflag:$0x2] =	stream.indirect.gather [hbm4b:s1+s10], $0x80, s10, s10, $0xb8;
	[tilespmem:$0x1F400] =	vst v63  }
0x28: {  	_ = 	snop  }
0x29: {  	[tilespmem:s14], [sflag:$0x3] =	stream.indirect.gather [hbm4b:s1+s10], $0x80, s13, s10, $0xb8;
	[tilespmem:$0x1F400] =	vst v63  }
0x2a: {  	s25 =	smov.u32 s8;
	s26 =	simm.s32 $0x0  }
0x2b: {  	[tilespmem:s16], [sflag:$0x4] =	stream.indirect.gather [hbm4b:s1+s10], $0x80, s15, s10, $0xb8;
	[tilespmem:$0x1F400] =	vst v63  }
.LBB2_2:
0x2c: {  	_ =	swait.ge [sflag:s17], $0x6400  }
0x2d: {  	[sflag:s17] =	ssyncset.done $0x0  }
0x2e: {  	s28 =	sadd.s32 $0xFFFFDA80, s25;
	p0 =	seq.s32 s26, $0x18380;
	[sflag:s17] =	ssyncadd.s32 $0xFFFF9C00  }
0x2f: {  	[hbm4b:s28+s3] =	stream.linear.scatter [tilespmem:s11], [sflag:$0x5], $0x6400, $0x38;
	[tilespmem:$0x1F400] =	vst v63  }
0x30: {  	s28 =	simm.s32 @p0 $0x2  }
0x31: {  	_ =	swait.ge @p0 [sflag:s28], $0x6400  }
0x32: {  	[sflag:s28] =	ssyncset.done @p0 $0x0  }
0x33: {  	s29 =	simm.s32 @p0 $0xC800;
	[sflag:s28] =	ssyncadd.s32 @p0 $0xFFFF9C00;
	s28 =	simm.s32 @p0 $0x0  }
0x34: {  	[hbm4b:s6+s28] =	stream.linear.scatter @p0 [tilespmem:s29], [sflag:$0x6], $0x6400, $0x38;
	[tilespmem:$0x1F400] =	vst v63  }
0x35: {  	s28 =	simm.s32 @!p0 $0x5  }
0x36: {  	_ =	swait.ge @!p0 [sflag:s28], $0x6400  }
0x37: {  	[sflag:s28] =	ssyncset.done @!p0 $0x0  }
0x38: {  	[sflag:s28] =	ssyncadd.s32 @!p0 $0xFFFF9C00;
	s28 =	sshra.s32 @!p0 s26, $0x2  }
0x39: {  	s30 =	simm.s32 @!p0 $0xC8;
	s31 =	simm.s32 @!p0 $0x6400;
	s29 =	sadd.s32 @!p0 $0x320, s28  }
0x3a: {  	[tilespmem:s31], [sflag:$0x1] =	stream.indirect.gather @!p0 [hbm4b:s1+s30], $0x80, s29, s30, $0xb8;
	[tilespmem:$0x1F400] =	vst v63  }
0x3b: {  	s29 =	simm.s32 @!p0 $0x2  }
0x3c: {  	_ =	swait.ge @!p0 [sflag:s29], $0x6400  }
0x3d: {  	s2 =	simm.s32 @!p0 $0xC800;
	[sflag:s29] =	ssyncset.done @!p0 $0x0  }
0x3e: {  	s31 =	simm.s32 @!p0 $0x0;
	[sflag:s29] =	ssyncadd.s32 @!p0 $0xFFFF9C00;
	s29 =	sadd.s32 @!p0 $0xFFFFE700, s25  }
0x3f: {  	[hbm4b:s29+s31] =	stream.linear.scatter @!p0 [tilespmem:s2], [sflag:$0x6], $0x6400, $0x38;
	[tilespmem:$0x1F400] =	vst v63  }
0x40: {  	s29 =	simm.s32 @!p0 $0x6  }
0x41: {  	_ =	swait.ge @!p0 [sflag:s29], $0x6400  }
0x42: {  	[sflag:s29] =	ssyncset.done @!p0 $0x0  }
0x43: {  	s28 =	sadd.s32 @!p0 $0x3E8, s28;
	[sflag:s29] =	ssyncadd.s32 @!p0 $0xFFFF9C00  }
0x44: {  	[tilespmem:s2], [sflag:$0x2] =	stream.indirect.gather @!p0 [hbm4b:s1+s30], $0x80, s28, s30, $0xb8;
	[tilespmem:$0x1F400] =	vst v63  }
.Ltmp2:
0x45: {  	_ = 	snop;
	(pc) =	sbr.rel @p0 .LBB2_4-.Ltmp2, $4  }
0x46: {  	_ =	swait.ge [sflag:s18], $0x6400  }
0x47: {  	[sflag:s18] =	ssyncset.done $0x0  }
0x48: {  	s31 =	sadd.s32 $0xFFFFF380, s25;
	[sflag:s18] =	ssyncadd.s32 $0xFFFF9C00  }
0x49: {  	[hbm4b:s31+s3] =	stream.linear.scatter [tilespmem:s14], [sflag:$0x7], $0x6400, $0x38;
	[tilespmem:$0x1F400] =	vst v63  }
0x4a: {  	_ =	swait.ge [sflag:s22], $0x6400  }
0x4b: {  	s2 =	sshra.s32 s26, $0x2;
	[sflag:s22] =	ssyncset.done $0x0  }
0x4c: {  	s28 =	sadd.s32 $0x4B0, s2;
	[sflag:s22] =	ssyncadd.s32 $0xFFFF9C00  }
0x4d: {  	[tilespmem:s14], [sflag:$0x3] =	stream.indirect.gather [hbm4b:s1+s10], $0x80, s28, s10, $0xb8;
	[tilespmem:$0x1F400] =	vst v63  }
0x4e: {  	_ =	swait.ge [sflag:s19], $0x6400  }
0x4f: {  	[sflag:s19] =	ssyncset.done $0x0  }
0x50: {  	[sflag:s19] =	ssyncadd.s32 $0xFFFF9C00  }
0x51: {  	[hbm4b:s25+s3] =	stream.linear.scatter [tilespmem:s16], [sflag:$0x8], $0x6400, $0x38;
	[tilespmem:$0x1F400] =	vst v63  }
.Ltmp3:
0x52: {  	_ = 	snop;
	(pc) =	sbr.rel .LBB2_2-.Ltmp3, $4  }
0x53: {  	_ =	swait.ge [sflag:s23], $0x6400  }
0x54: {  	s26 =	sadd.s32 $0xC80, s26;
	[sflag:s23] =	ssyncset.done $0x0  }
0x55: {  	s2 =	sadd.s32 $0x578, s2;
	s25 =	sadd.s32 $0x3200, s25;
	[sflag:s23] =	ssyncadd.s32 $0xFFFF9C00  }
0x56: {  	[tilespmem:s16], [sflag:$0x4] =	stream.indirect.gather [hbm4b:s1+s10], $0x80, s2, s10, $0xb8;
	[tilespmem:$0x1F400] =	vst v63  }
.LBB2_5:
0x57: {  	_ =	sfence.sel $0x180000  }
0x58: {  	[bflag:$0x0] =	sbarrier.arrive $0xFFFF  }
0x59: {  	_ =	strace $0x90000047  }
0x5a: {  	[bflag:$0x2] =	sbarrier.arrive $0xFFFF  }
0x5b: {  	p0 =	sne.s32 s0, $0x0;
	s0 =	rddreg [dreg:$0x3]  }
0x5c: {  	s0 =	sadd.s32 @!p0 $0x100000, s0  }
0x5d: {  	[sflag:s0] =	ssyncadd.tile.s32 @!p0 $0x1;
	_ =	shalt  }
.Lfunc_end2:
_tile_overlayer_lowered:
.L_overlay_start_2:
0x5e: {  	(tag) =	ssettag $0x2  }
0x5f: {  	s0 =	rddreg [dreg:$0x0];
	s2 =	stileid.u32  }
0x60: {  	s1 =	rddreg [dreg:$0x1];
	p0 =	sne.s32 s2, $0x0  }
0x61: {  	s3 =	rddreg [dreg:$0x2];
	[bflag:$0x3] =	sbarrier.arrive $0xFFFF;
	s2 =	simm.s32 @!p0 $0x1C09  }
0x62: {  	[timem:s3], [sflag:s2] =	dma.local @!p0 [hbm:s0], s1  }
0x63: {  	s0 =	simm.s32 @!p0 $0x9  }
0x64: {  	_ =	swait.ge @!p0 [sflag:s0], s1  }
0x65: {  	s1 =	ssub.s32 @!p0 $0x0, s1;
	[sflag:s0] =	ssyncset.done @!p0 $0x0  }
0x66: {  	[sflag:s0] =	ssyncadd.s32 @!p0 s1  }
0x67: {  	[bflag:$0x3] =	sbarrier.arrive $0xFFFF  }
0x68: {  	_ =	shalt  }

</sc_bundles>
